<compile_context>
chip_gen: v7x
topology: tpu7x:2x2x1
jax: 0.10.2.dev20260603
libtpu: 0.0.44.dev20260713+nightly
codegen_flags: <defaults>
</compile_context>

<pallas_src>
import functools

import jax
import jax.numpy as jnp
from jax.experimental import pallas as pl
from jax.experimental.pallas import tpu as pltpu
from jax.experimental.pallas import tpu_sc as plsc

DIM = 128
S_SIZE = 1024
M_SIZE = 8192
L_SIZE = 65536
B = 512
BLK = 8192
M_BLOCKS = M_SIZE // BLK
L_BLOCKS = L_SIZE // BLK
N_ML = M_BLOCKS + L_BLOCKS
N_UTIL = 1 + N_ML
_LOG2E = 1.4426950408889634
_SCALE2 = _LOG2E / float(DIM) ** 0.5


def _tree_sum_lanes(p):
    parts = [p[:, k * DIM:(k + 1) * DIM] for k in range(p.shape[1] // DIM)]
    while len(parts) > 1:
        half = len(parts) // 2
        parts = [parts[2 * k] + parts[2 * k + 1] for k in range(half)] + \
            parts[2 * half:]
    return parts[0]


def _tree_sum_rows(p):
    r = p.shape[0]
    while r > 8:
        r //= 2
        p = p[:r] + p[r:]
    return jnp.sum(p, axis=0, keepdims=True)


def _sc_ring_gather(table, idx):
    num_cores, num_subcores = 2, 16
    nw = num_cores * num_subcores
    rows_per = S_SIZE // nw
    mesh = plsc.VectorSubcoreMesh(core_axis_name="c", subcore_axis_name="s")

    @functools.partial(
        pl.kernel, mesh=mesh,
        out_type=jax.ShapeDtypeStruct((S_SIZE, DIM), jnp.float32),
        scratch_types=[
            pltpu.VMEM((rows_per,), jnp.int32),
            pltpu.VMEM((rows_per, DIM), jnp.float32),
            pltpu.SemaphoreType.DMA,
        ],
    )
    def k(table_hbm, idx_hbm, out_hbm, idx_v, rows_v, sem):
        wid = (jax.lax.axis_index("s") * num_cores
               + jax.lax.axis_index("c"))
        base = wid * rows_per
        pltpu.sync_copy(idx_hbm.at[pl.ds(base, rows_per)], idx_v)
        pltpu.async_copy(table_hbm.at[idx_v], rows_v, sem).wait()
        pltpu.sync_copy(rows_v, out_hbm.at[pl.ds(base, rows_per)])

    return k(table, idx)


def _flash_ml_kernel(x_ref, m_ref, l_ref, acc_out_ref, den_out_ref,
                     acc_ref, den_ref):
    i = pl.program_id(0)
    x16 = (x_ref[...] * _SCALE2).astype(jnp.bfloat16)

    @pl.when(i == 0)
    def _():
        den_ref[...] = jnp.zeros((B, DIM), jnp.float32)
        acc_ref[...] = jnp.zeros((B, DIM), jnp.float32)

    blk16 = jnp.where(i < M_BLOCKS, m_ref[...], l_ref[...]).astype(jnp.bfloat16)
    scores2 = jax.lax.dot_general(
        x16, blk16, (((1,), (1,)), ((), ())),
        preferred_element_type=jnp.float32)
    p = jnp.exp2(scores2)
    den_ref[...] += _tree_sum_lanes(p)
    acc_ref[...] += jax.lax.dot_general(
        p.astype(jnp.bfloat16), blk16, (((1,), (0,)), ((), ())),
        preferred_element_type=jnp.float32)

    @pl.when(i == N_ML - 1)
    def _():
        acc_out_ref[...] = acc_ref[...]
        den_out_ref[...] = den_ref[...]


def _util_kernel(x_ref, s_new_ref, acc_ref, den_ref, m_ref, l_ref,
                 out_ref, mu_ref, lu_ref, lse2_ref):
    i = pl.program_id(0)
    x16 = (x_ref[...] * _SCALE2).astype(jnp.bfloat16)

    @pl.when(i == 0)
    def _():
        blk16 = s_new_ref[...].astype(jnp.bfloat16)
        scores2 = jax.lax.dot_general(
            x16, blk16, (((1,), (1,)), ((), ())),
            preferred_element_type=jnp.float32)
        p = jnp.exp2(scores2)
        den = jnp.sum(den_ref[...] + _tree_sum_lanes(p), axis=1,
                      keepdims=True)
        acc = acc_ref[...] + jax.lax.dot_general(
            p.astype(jnp.bfloat16), blk16, (((1,), (0,)), ((), ())),
            preferred_element_type=jnp.float32)
        out_ref[...] = acc / den
        lse2_ref[...] = jnp.log2(den)

    @pl.when(i >= 1)
    def _():
        blk = jnp.where(i < 1 + M_BLOCKS, m_ref[...], l_ref[...])
        scores2 = jax.lax.dot_general(
            x16, blk.astype(jnp.bfloat16), (((1,), (1,)), ((), ())),
            preferred_element_type=jnp.float32)
        p = jnp.exp2(scores2 - lse2_ref[...])
        u = _tree_sum_rows(p)

        @pl.when(jnp.logical_and(i >= 1, i < 1 + M_BLOCKS))
        def _():
            mu_ref[...] = u[None]

        @pl.when(i >= 1 + M_BLOCKS)
        def _():
            lu_ref[...] = u[None]


def kernel(x, s_memory, m_memory, l_memory, s_ptr):
    sp = jnp.asarray(s_ptr, jnp.int32)
    r = jnp.arange(S_SIZE, dtype=jnp.int32)
    off = jnp.mod(r - sp, S_SIZE)
    ring_idx = jnp.where(off < B, off, B + r)
    table = jnp.concatenate([x, s_memory], axis=0)
    s_new = _sc_ring_gather(table, ring_idx)

    full = lambda shape: pl.BlockSpec(shape, lambda i: (0,) * len(shape))
    m_spec = pl.BlockSpec(
        (BLK, DIM), lambda i: (jnp.clip(i, 0, M_BLOCKS - 1), 0))
    l_spec = pl.BlockSpec(
        (BLK, DIM), lambda i: (jnp.clip(i - M_BLOCKS, 0, L_BLOCKS - 1), 0))

    acc, den = pl.pallas_call(
        _flash_ml_kernel,
        grid=(N_ML,),
        in_specs=[full((B, DIM)), m_spec, l_spec],
        out_specs=[full((B, DIM)), full((B, DIM))],
        out_shape=[
            jax.ShapeDtypeStruct((B, DIM), jnp.float32),
            jax.ShapeDtypeStruct((B, DIM), jnp.float32),
        ],
        scratch_shapes=[
            pltpu.VMEM((B, DIM), jnp.float32),
            pltpu.VMEM((B, DIM), jnp.float32),
        ],
    )(x, m_memory, l_memory)

    um_spec = pl.BlockSpec(
        (BLK, DIM), lambda i: (jnp.clip(i - 1, 0, M_BLOCKS - 1), 0))
    ul_spec = pl.BlockSpec(
        (BLK, DIM), lambda i: (jnp.clip(i - 1 - M_BLOCKS, 0, L_BLOCKS - 1), 0))
    out, mu, lu = pl.pallas_call(
        _util_kernel,
        grid=(N_UTIL,),
        in_specs=[full((B, DIM)), full((S_SIZE, DIM)),
                  full((B, DIM)), full((B, DIM)), um_spec, ul_spec],
        out_specs=[
            full((B, DIM)),
            pl.BlockSpec((1, 1, BLK),
                         lambda i: (jnp.clip(i - 1, 0, M_BLOCKS - 1), 0, 0)),
            pl.BlockSpec(
                (1, 1, BLK),
                lambda i: (jnp.clip(i - 1 - M_BLOCKS, 0, L_BLOCKS - 1), 0, 0)),
        ],
        out_shape=[
            jax.ShapeDtypeStruct((B, DIM), jnp.float32),
            jax.ShapeDtypeStruct((M_BLOCKS, 1, BLK), jnp.float32),
            jax.ShapeDtypeStruct((L_BLOCKS, 1, BLK), jnp.float32),
        ],
        scratch_shapes=[
            pltpu.VMEM((B, 1), jnp.float32),
        ],
    )(x, s_new, acc, den, m_memory, l_memory)

    return out, s_new, mu.reshape(M_SIZE), lu.reshape(L_SIZE)

# --- scband reference (transcript-rebuilt; emitter-appended) ---
"""Pipeline reference for scband-tiered-layer-memory-32744830665529 (READ-ONLY COPY).

The authoritative reference and input builder live on the scoring server;
editing this copy changes nothing except your own understanding.
"""

import jax, jax.numpy as jnp
import numpy as np

DIM = 128
S_SIZE = 1024
M_SIZE = 8192
L_SIZE = 65536
B = 512


def setup_inputs(seed: int = 0) -> dict:
    key = jax.random.key(seed)
    k1, k2, k3, k4 = jax.random.split(key, 4)
    return {
        "x": jax.random.normal(k1, (B, DIM), dtype=jnp.float32),
        "s_memory": jax.random.normal(k2, (S_SIZE, DIM), dtype=jnp.float32),
        "m_memory": jax.random.normal(k3, (M_SIZE, DIM), dtype=jnp.float32),
        "l_memory": jax.random.normal(k4, (L_SIZE, DIM), dtype=jnp.float32),
        "s_ptr": 0,
    }


def reference(x, s_memory, m_memory, l_memory, s_ptr):
    # 1) Write incoming tokens into the short-term tier as a ring buffer
    #    (scatter-overwrite at positions (s_ptr + i) mod s_size).
    b = x.shape[0]
    idx = (s_ptr + jnp.arange(b)) % s_memory.shape[0]
    s_new = s_memory.at[idx].set(x)

    # 2) Attention read over the concatenated tiered memory.
    mem = jnp.concatenate([s_new, m_memory, l_memory], axis=0)
    scale = 1.0 / jnp.sqrt(jnp.float32(x.shape[1]))
    scores = (x @ mem.T) * scale                      # [B, S+M+L]
    attn = jax.nn.softmax(scores, axis=-1)
    out = attn @ mem                                  # [B, dim]

    # 3) Utility bookkeeping for the M and L tiers (non-learned buffers):
    #    accumulate total attention mass received by each slot.
    s_sz = s_memory.shape[0]
    m_sz = m_memory.shape[0]
    m_utility = jnp.sum(attn[:, s_sz:s_sz + m_sz], axis=0)   # [m_size]
    l_utility = jnp.sum(attn[:, s_sz + m_sz:], axis=0)       # [l_size]

    return out, s_new, m_utility, l_utility

if __name__ == "__main__":
    import jax
    _d = setup_inputs()
    print(jax.jit(kernel)(*tuple(_d.values())))

</pallas_src>

<mosaic_0001>
#map = affine_map<(d0, d1) -> (0, 0)>
#map1 = affine_map<(d0, d1) -> (0)>
module attributes {stable_mosaic.version = 14 : i64} {
  func.func @k(%arg0: i32, %arg1: i32, %arg2: memref<1536x128xf32, #tpu.memory_space<hbm>>, %arg3: memref<1024xi32, #tpu.memory_space<hbm>>, %arg4: memref<1024x128xf32, #tpu.memory_space<hbm>>, %arg5: memref<32xi32, #tpu.memory_space<vmem>>, %arg6: memref<32x128xf32, #tpu.memory_space<vmem>>, %arg7: memref<!tpu.dma_semaphore, #tpu.memory_space<semaphore_mem>>) attributes {dimension_semantics = [#tpu.dimension_semantics<core_parallel>, #tpu.dimension_semantics<subcore_parallel>], iteration_bounds = array<i64: 2, 16>, scalar_prefetch = 0 : i64, scratch_operands = 3 : i64, tpu.core_type = #tpu.core_type<sc_vector_subcore>, window_params = [{transform_indices = #map}, {transform_indices = #map1}, {transform_indices = #map}]} {
    %mul3A = arith.constant 2 : i32
    %mul3A_0 = arith.muli %arg1, %mul3A : i32
    %add3A = arith.addi %mul3A_0, %arg0 : i32
    %mul3A_1 = arith.constant 32 : i32
    %mul3A_2 = arith.muli %add3A, %mul3A_1 : i32
    "tpu.region"() ({
      %run_scoped3A = tpu.sem_alloc : memref<!tpu.dma_semaphore, #tpu.memory_space<semaphore_mem>>
      %dma_start3A_7 = tpu.memref_slice %arg3[%mul3A_2] : memref<1024xi32, #tpu.memory_space<hbm>> -> memref<32xi32, #tpu.memory_space<hbm>>
      %dma_start3A_8 = tpu.memref_slice %arg3[%mul3A_2] : memref<1024xi32, #tpu.memory_space<hbm>> -> memref<32xi32, #tpu.memory_space<hbm>>
      tpu.enqueue_dma source(%dma_start3A_8 : memref<32xi32, #tpu.memory_space<hbm>>) target(%arg5 : memref<32xi32, #tpu.memory_space<vmem>>) target_semaphore(%run_scoped3A : memref<!tpu.dma_semaphore, #tpu.memory_space<semaphore_mem>>)
      %dma_wait3A_9 = tpu.memref_slice %arg3[%mul3A_2] : memref<1024xi32, #tpu.memory_space<hbm>> -> memref<32xi32, #tpu.memory_space<hbm>>
      %dma_wait3A_10 = tpu.memref_slice %arg3[%mul3A_2] : memref<1024xi32, #tpu.memory_space<hbm>> -> memref<32xi32, #tpu.memory_space<hbm>>
      tpu.wait_dma2 semaphore(%run_scoped3A : memref<!tpu.dma_semaphore, #tpu.memory_space<semaphore_mem>>) src(%dma_wait3A_10 : memref<32xi32, #tpu.memory_space<hbm>>) dst(%arg5 : memref<32xi32, #tpu.memory_space<vmem>>)
      tpu.yield
    }) : () -> ()
    %dma_start3A = arith.constant 0 : i32
    %dma_start3A_3 = arith.constant 0 : i32
    %dma_start3A_4 = tpu.memref_slice %arg2[%dma_start3A, %dma_start3A_3] : memref<1536x128xf32, #tpu.memory_space<hbm>> -> memref<1536x128xf32, #tpu.memory_space<hbm>>
    tpu.enqueue_indirect_dma source(%dma_start3A_4 : memref<1536x128xf32, #tpu.memory_space<hbm>>) target(%arg6 : memref<32x128xf32, #tpu.memory_space<vmem>>) offsets(%arg5 : memref<32xi32, #tpu.memory_space<vmem>>) semaphore(%arg7 : memref<!tpu.dma_semaphore, #tpu.memory_space<semaphore_mem>>)
    %dma_wait3A = arith.constant 0 : i32
    %dma_wait3A_5 = arith.constant 0 : i32
    %dma_wait3A_6 = tpu.memref_slice %arg2[%dma_wait3A, %dma_wait3A_5] : memref<1536x128xf32, #tpu.memory_space<hbm>> -> memref<1536x128xf32, #tpu.memory_space<hbm>>
    tpu.wait_indirect_dma semaphore(%arg7 : memref<!tpu.dma_semaphore, #tpu.memory_space<semaphore_mem>>) src(%dma_wait3A_6 : memref<1536x128xf32, #tpu.memory_space<hbm>>) dst(%arg6 : memref<32x128xf32, #tpu.memory_space<vmem>>)
    "tpu.region"() ({
      %run_scoped3A = tpu.sem_alloc : memref<!tpu.dma_semaphore, #tpu.memory_space<semaphore_mem>>
      %dma_start3A_7 = arith.constant 0 : i32
      %dma_start3A_8 = tpu.memref_slice %arg4[%mul3A_2, %dma_start3A_7] : memref<1024x128xf32, #tpu.memory_space<hbm>> -> memref<32x128xf32, #tpu.memory_space<hbm>>
      %dma_start3A_9 = arith.constant 0 : i32
      %dma_start3A_10 = tpu.memref_slice %arg4[%mul3A_2, %dma_start3A_9] : memref<1024x128xf32, #tpu.memory_space<hbm>> -> memref<32x128xf32, #tpu.memory_space<hbm>>
      tpu.enqueue_dma source(%arg6 : memref<32x128xf32, #tpu.memory_space<vmem>>) target(%dma_start3A_10 : memref<32x128xf32, #tpu.memory_space<hbm>>) target_semaphore(%run_scoped3A : memref<!tpu.dma_semaphore, #tpu.memory_space<semaphore_mem>>)
      %dma_wait3A_11 = arith.constant 0 : i32
      %dma_wait3A_12 = tpu.memref_slice %arg4[%mul3A_2, %dma_wait3A_11] : memref<1024x128xf32, #tpu.memory_space<hbm>> -> memref<32x128xf32, #tpu.memory_space<hbm>>
      %dma_wait3A_13 = arith.constant 0 : i32
      %dma_wait3A_14 = tpu.memref_slice %arg4[%mul3A_2, %dma_wait3A_13] : memref<1024x128xf32, #tpu.memory_space<hbm>> -> memref<32x128xf32, #tpu.memory_space<hbm>>
      tpu.wait_dma2 semaphore(%run_scoped3A : memref<!tpu.dma_semaphore, #tpu.memory_space<semaphore_mem>>) src(%arg6 : memref<32x128xf32, #tpu.memory_space<vmem>>) dst(%dma_wait3A_14 : memref<32x128xf32, #tpu.memory_space<hbm>>)
      tpu.yield
    }) : () -> ()
    return
  }
}

module attributes {stable_mosaic.version = 14 : i64} {
  func.func @_util_kernel(%arg0: i32, %arg1: memref<512x128xf32, #tpu.memory_space<vmem>>, %arg2: memref<1024x128xf32, #tpu.memory_space<vmem>>, %arg3: memref<512x128xf32, #tpu.memory_space<vmem>>, %arg4: memref<512x128xf32, #tpu.memory_space<vmem>>, %arg5: memref<8192x128xf32, #tpu.memory_space<vmem>>, %arg6: memref<8192x128xf32, #tpu.memory_space<vmem>>, %arg7: memref<512x128xf32, #tpu.memory_space<vmem>>, %arg8: memref<1x1x8192xf32, #tpu.memory_space<vmem>>, %arg9: memref<1x1x8192xf32, #tpu.memory_space<vmem>>, %arg10: memref<512x1xf32, #tpu.memory_space<vmem>>) attributes {dimension_semantics = [#tpu.dimension_semantics<arbitrary>], iteration_bounds = array<i64: 10>, scalar_prefetch = 0 : i64, scratch_operands = 1 : i64, tpu.core_type = #tpu.core_type<tc>, window_params = [{pipeline_mode = #tpu.pipeline_mode<synchronous>, transform_indices = @transform_0, window_bounds = array<i64: 512, 128>}, {pipeline_mode = #tpu.pipeline_mode<synchronous>, transform_indices = @transform_1, window_bounds = array<i64: 1024, 128>}, {pipeline_mode = #tpu.pipeline_mode<synchronous>, transform_indices = @transform_2, window_bounds = array<i64: 512, 128>}, {pipeline_mode = #tpu.pipeline_mode<synchronous>, transform_indices = @transform_3, window_bounds = array<i64: 512, 128>}, {transform_indices = @transform_4, window_bounds = array<i64: 8192, 128>}, {transform_indices = @transform_5, window_bounds = array<i64: 8192, 128>}, {pipeline_mode = #tpu.pipeline_mode<synchronous>, transform_indices = @transform_6, window_bounds = array<i64: 512, 128>}, {transform_indices = @transform_7, window_bounds = array<i64: 1, 1, 8192>}, {transform_indices = @transform_8, window_bounds = array<i64: 1, 1, 8192>}]} {
    %get3A = arith.constant 0 : index
    %get3A_0 = arith.constant 0 : index
    %get3A_1 = vector.load %arg1[%get3A, %get3A_0] : memref<512x128xf32, #tpu.memory_space<vmem>>, vector<512x128xf32>
    %mul3A = arith.constant 0.127517432 : f32
    %mul3A_2 = vector.broadcast %mul3A : f32 to vector<512x128xf32>
    %mul3A_3 = arith.mulf %get3A_1, %mul3A_2 : vector<512x128xf32>
    %convert_element_type3A = arith.truncf %mul3A_3 : vector<512x128xf32> to vector<512x128xbf16>
    %eq3A = arith.constant 0 : i32
    %eq3A_4 = arith.cmpi eq, %arg0, %eq3A : i32
    %convert_element_type3A_5 = arith.extui %eq3A_4 : i1 to i32
    %cond3A = arith.constant 0 : i32
    %cond3A_6 = arith.cmpi ne, %convert_element_type3A_5, %cond3A : i32
    scf.if %cond3A_6 {
      %get3A_11 = arith.constant 0 : index
      %get3A_12 = arith.constant 0 : index
      %get3A_13 = vector.load %arg2[%get3A_11, %get3A_12] : memref<1024x128xf32, #tpu.memory_space<vmem>>, vector<1024x128xf32>
      %convert_element_type3A_14 = arith.truncf %get3A_13 : vector<1024x128xf32> to vector<1024x128xbf16>
      %dot_general3A = arith.constant dense<0.000000e+00> : vector<512x1024xf32>
      %dot_general3A_15 = tpu.matmul %convert_element_type3A, %convert_element_type3A_14, %dot_general3A {dimension_numbers = #tpu.dot_dimension_numbers<[1], [1], [0], [0], [0, 0, 1, 0], [], []>, transpose_lhs_hint = false} : vector<512x128xbf16>, vector<1024x128xbf16>, vector<512x1024xf32> -> vector<512x1024xf32>
      %exp23A = math.exp2 %dot_general3A_15 : vector<512x1024xf32>
      %get3A_16 = arith.constant 0 : index
      %get3A_17 = arith.constant 0 : index
      %get3A_18 = vector.load %arg4[%get3A_16, %get3A_17] : memref<512x128xf32, #tpu.memory_space<vmem>>, vector<512x128xf32>
      %slice3A = vector.extract_strided_slice %exp23A {offsets = [0, 0], sizes = [512, 128], strides = [1, 1]} : vector<512x1024xf32> to vector<512x128xf32>
      %slice3A_19 = vector.extract_strided_slice %exp23A {offsets = [0, 128], sizes = [512, 128], strides = [1, 1]} : vector<512x1024xf32> to vector<512x128xf32>
      %slice3A_20 = vector.extract_strided_slice %exp23A {offsets = [0, 256], sizes = [512, 128], strides = [1, 1]} : vector<512x1024xf32> to vector<512x128xf32>
      %slice3A_21 = vector.extract_strided_slice %exp23A {offsets = [0, 384], sizes = [512, 128], strides = [1, 1]} : vector<512x1024xf32> to vector<512x128xf32>
      %slice3A_22 = vector.extract_strided_slice %exp23A {offsets = [0, 512], sizes = [512, 128], strides = [1, 1]} : vector<512x1024xf32> to vector<512x128xf32>
      %slice3A_23 = vector.extract_strided_slice %exp23A {offsets = [0, 640], sizes = [512, 128], strides = [1, 1]} : vector<512x1024xf32> to vector<512x128xf32>
      %slice3A_24 = vector.extract_strided_slice %exp23A {offsets = [0, 768], sizes = [512, 128], strides = [1, 1]} : vector<512x1024xf32> to vector<512x128xf32>
      %slice3A_25 = vector.extract_strided_slice %exp23A {offsets = [0, 896], sizes = [512, 128], strides = [1, 1]} : vector<512x1024xf32> to vector<512x128xf32>
      %add3A = arith.addf %slice3A, %slice3A_19 : vector<512x128xf32>
      %add3A_26 = arith.addf %slice3A_20, %slice3A_21 : vector<512x128xf32>
      %add3A_27 = arith.addf %slice3A_22, %slice3A_23 : vector<512x128xf32>
      %add3A_28 = arith.addf %slice3A_24, %slice3A_25 : vector<512x128xf32>
      %add3A_29 = arith.addf %add3A, %add3A_26 : vector<512x128xf32>
      %add3A_30 = arith.addf %add3A_27, %add3A_28 : vector<512x128xf32>
      %add3A_31 = arith.addf %add3A_29, %add3A_30 : vector<512x128xf32>
      %add3A_32 = arith.addf %get3A_18, %add3A_31 : vector<512x128xf32>
      %reduce_sum3A = arith.constant dense<0.000000e+00> : vector<512xf32>
      %reduce_sum3A_33 = vector.multi_reduction <add>, %add3A_32, %reduce_sum3A [1] : vector<512x128xf32> to vector<512xf32>
      %broadcast_in_dim3A = vector.shape_cast %reduce_sum3A_33 : vector<512xf32> to vector<512x1xf32>
      %get3A_34 = arith.constant 0 : index
      %get3A_35 = arith.constant 0 : index
      %get3A_36 = vector.load %arg3[%get3A_34, %get3A_35] : memref<512x128xf32, #tpu.memory_space<vmem>>, vector<512x128xf32>
      %convert_element_type3A_37 = arith.truncf %exp23A : vector<512x1024xf32> to vector<512x1024xbf16>
      %dot_general3A_38 = arith.constant dense<0.000000e+00> : vector<512x128xf32>
      %dot_general3A_39 = tpu.matmul %convert_element_type3A_37, %convert_element_type3A_14, %dot_general3A_38 {dimension_numbers = #tpu.dot_dimension_numbers<[1], [0], [0], [1], [0, 0, 1, 1], [], []>, transpose_lhs_hint = false} : vector<512x1024xbf16>, vector<1024x128xbf16>, vector<512x128xf32> -> vector<512x128xf32>
      %add3A_40 = arith.addf %get3A_36, %dot_general3A_39 : vector<512x128xf32>
      %div3A = vector.broadcast %broadcast_in_dim3A : vector<512x1xf32> to vector<512x128xf32>
      %div3A_41 = arith.divf %add3A_40, %div3A : vector<512x128xf32>
      %swap3A = arith.constant 0 : index
      %swap3A_42 = arith.constant 0 : index
      %swap3A_43 = vector.load %arg7[%swap3A, %swap3A_42] : memref<512x128xf32, #tpu.memory_space<vmem>>, vector<512x128xf32>
      tpu.vector_store %arg7[%swap3A, %swap3A_42], %div3A_41 {strides = array<i32>} : memref<512x128xf32, #tpu.memory_space<vmem>>, vector<512x128xf32>,
      %log3A = math.log %broadcast_in_dim3A : vector<512x1xf32>
      %log3A_44 = arith.constant 2.000000e+00 : f32
      %log3A_45 = math.log %log3A_44 : f32
      %div3A_46 = vector.broadcast %log3A_45 : f32 to vector<512x1xf32>
      %div3A_47 = arith.divf %log3A, %div3A_46 : vector<512x1xf32>
      %swap3A_48 = arith.constant 0 : index
      %swap3A_49 = arith.constant 0 : index
      %swap3A_50 = vector.load %arg10[%swap3A_48, %swap3A_49] : memref<512x1xf32, #tpu.memory_space<vmem>>, vector<512x1xf32>
      tpu.vector_store %arg10[%swap3A_48, %swap3A_49], %div3A_47 {strides = array<i32>} : memref<512x1xf32, #tpu.memory_space<vmem>>, vector<512x1xf32>,
    } else {
    }
    %ge3A = arith.constant 1 : i32
    %ge3A_7 = arith.cmpi sge, %arg0, %ge3A : i32
    %convert_element_type3A_8 = arith.extui %ge3A_7 : i1 to i32
    %cond3A_9 = arith.constant 0 : i32
    %cond3A_10 = arith.cmpi ne, %convert_element_type3A_8, %cond3A_9 : i32
    scf.if %cond3A_10 {
      %lt3A = arith.constant 2 : i32
      %lt3A_11 = arith.cmpi slt, %arg0, %lt3A : i32
      %get3A_12 = arith.constant 0 : index
      %get3A_13 = arith.constant 0 : index
      %get3A_14 = vector.load %arg5[%get3A_12, %get3A_13] : memref<8192x128xf32, #tpu.memory_space<vmem>>, vector<8192x128xf32>
      %get3A_15 = arith.constant 0 : index
      %get3A_16 = arith.constant 0 : index
      %get3A_17 = vector.load %arg6[%get3A_15, %get3A_16] : memref<8192x128xf32, #tpu.memory_space<vmem>>, vector<8192x128xf32>
      %select_n3A = arith.select %lt3A_11, %get3A_14, %get3A_17 : vector<8192x128xf32>
      %convert_element_type3A_18 = arith.truncf %select_n3A : vector<8192x128xf32> to vector<8192x128xbf16>
      %dot_general3A = arith.constant dense<0.000000e+00> : vector<512x8192xf32>
      %dot_general3A_19 = tpu.matmul %convert_element_type3A, %convert_element_type3A_18, %dot_general3A {dimension_numbers = #tpu.dot_dimension_numbers<[1], [1], [0], [0], [0, 0, 1, 0], [], []>, transpose_lhs_hint = false} : vector<512x128xbf16>, vector<8192x128xbf16>, vector<512x8192xf32> -> vector<512x8192xf32>
      %get3A_20 = arith.constant 0 : index
      %get3A_21 = arith.constant 0 : index
      %get3A_22 = vector.load %arg10[%get3A_20, %get3A_21] : memref<512x1xf32, #tpu.memory_space<vmem>>, vector<512x1xf32>
      %sub3A = vector.broadcast %get3A_22 : vector<512x1xf32> to vector<512x8192xf32>
      %sub3A_23 = arith.subf %dot_general3A_19, %sub3A : vector<512x8192xf32>
      %exp23A = math.exp2 %sub3A_23 : vector<512x8192xf32>
      %slice3A = vector.extract_strided_slice %exp23A {offsets = [0, 0], sizes = [256, 8192], strides = [1, 1]} : vector<512x8192xf32> to vector<256x8192xf32>
      %slice3A_24 = vector.extract_strided_slice %exp23A {offsets = [256, 0], sizes = [256, 8192], strides = [1, 1]} : vector<512x8192xf32> to vector<256x8192xf32>
      %add3A = arith.addf %slice3A, %slice3A_24 : vector<256x8192xf32>
      %slice3A_25 = vector.extract_strided_slice %add3A {offsets = [0, 0], sizes = [128, 8192], strides = [1, 1]} : vector<256x8192xf32> to vector<128x8192xf32>
      %slice3A_26 = vector.extract_strided_slice %add3A {offsets = [128, 0], sizes = [128, 8192], strides = [1, 1]} : vector<256x8192xf32> to vector<128x8192xf32>
      %add3A_27 = arith.addf %slice3A_25, %slice3A_26 : vector<128x8192xf32>
      %slice3A_28 = vector.extract_strided_slice %add3A_27 {offsets = [0, 0], sizes = [64, 8192], strides = [1, 1]} : vector<128x8192xf32> to vector<64x8192xf32>
      %slice3A_29 = vector.extract_strided_slice %add3A_27 {offsets = [64, 0], sizes = [64, 8192], strides = [1, 1]} : vector<128x8192xf32> to vector<64x8192xf32>
      %add3A_30 = arith.addf %slice3A_28, %slice3A_29 : vector<64x8192xf32>
      %slice3A_31 = vector.extract_strided_slice %add3A_30 {offsets = [0, 0], sizes = [32, 8192], strides = [1, 1]} : vector<64x8192xf32> to vector<32x8192xf32>
      %slice3A_32 = vector.extract_strided_slice %add3A_30 {offsets = [32, 0], sizes = [32, 8192], strides = [1, 1]} : vector<64x8192xf32> to vector<32x8192xf32>
      %add3A_33 = arith.addf %slice3A_31, %slice3A_32 : vector<32x8192xf32>
      %slice3A_34 = vector.extract_strided_slice %add3A_33 {offsets = [0, 0], sizes = [16, 8192], strides = [1, 1]} : vector<32x8192xf32> to vector<16x8192xf32>
      %slice3A_35 = vector.extract_strided_slice %add3A_33 {offsets = [16, 0], sizes = [16, 8192], strides = [1, 1]} : vector<32x8192xf32> to vector<16x8192xf32>
      %add3A_36 = arith.addf %slice3A_34, %slice3A_35 : vector<16x8192xf32>
      %slice3A_37 = vector.extract_strided_slice %add3A_36 {offsets = [0, 0], sizes = [8, 8192], strides = [1, 1]} : vector<16x8192xf32> to vector<8x8192xf32>
      %slice3A_38 = vector.extract_strided_slice %add3A_36 {offsets = [8, 0], sizes = [8, 8192], strides = [1, 1]} : vector<16x8192xf32> to vector<8x8192xf32>
      %add3A_39 = arith.addf %slice3A_37, %slice3A_38 : vector<8x8192xf32>
      %reduce_sum3A = arith.constant dense<0.000000e+00> : vector<8192xf32>
      %reduce_sum3A_40 = vector.multi_reduction <add>, %add3A_39, %reduce_sum3A [0] : vector<8x8192xf32> to vector<8192xf32>
      %broadcast_in_dim3A = vector.shape_cast %reduce_sum3A_40 : vector<8192xf32> to vector<1x8192xf32>
      %ge3A_41 = arith.constant 1 : i32
      %ge3A_42 = arith.cmpi sge, %arg0, %ge3A_41 : i32
      %lt3A_43 = arith.constant 2 : i32
      %lt3A_44 = arith.cmpi slt, %arg0, %lt3A_43 : i32
      %and3A = arith.andi %ge3A_42, %lt3A_44 : i1
      %convert_element_type3A_45 = arith.extui %and3A : i1 to i32
      %cond3A_46 = arith.constant 0 : i32
      %cond3A_47 = arith.cmpi ne, %convert_element_type3A_45, %cond3A_46 : i32
      scf.if %cond3A_47 {
        %broadcast_in_dim3A_53 = vector.shape_cast %broadcast_in_dim3A : vector<1x8192xf32> to vector<1x1x8192xf32>
        %swap3A = arith.constant 0 : index
        %swap3A_54 = arith.constant 0 : index
        %swap3A_55 = arith.constant 0 : index
        %swap3A_56 = vector.load %arg8[%swap3A, %swap3A_54, %swap3A_55] : memref<1x1x8192xf32, #tpu.memory_space<vmem>>, vector<1x1x8192xf32>
        tpu.vector_store %arg8[%swap3A, %swap3A_54, %swap3A_55], %broadcast_in_dim3A_53 {strides = array<i32>} : memref<1x1x8192xf32, #tpu.memory_space<vmem>>, vector<1x1x8192xf32>,
      } else {
      }
      %ge3A_48 = arith.constant 2 : i32
      %ge3A_49 = arith.cmpi sge, %arg0, %ge3A_48 : i32
      %convert_element_type3A_50 = arith.extui %ge3A_49 : i1 to i32
      %cond3A_51 = arith.constant 0 : i32
      %cond3A_52 = arith.cmpi ne, %convert_element_type3A_50, %cond3A_51 : i32
      scf.if %cond3A_52 {
        %broadcast_in_dim3A_53 = vector.shape_cast %broadcast_in_dim3A : vector<1x8192xf32> to vector<1x1x8192xf32>
        %swap3A = arith.constant 0 : index
        %swap3A_54 = arith.constant 0 : index
        %swap3A_55 = arith.constant 0 : index
        %swap3A_56 = vector.load %arg9[%swap3A, %swap3A_54, %swap3A_55] : memref<1x1x8192xf32, #tpu.memory_space<vmem>>, vector<1x1x8192xf32>
        tpu.vector_store %arg9[%swap3A, %swap3A_54, %swap3A_55], %broadcast_in_dim3A_53 {strides = array<i32>} : memref<1x1x8192xf32, #tpu.memory_space<vmem>>, vector<1x1x8192xf32>,
      } else {
      }
    } else {
    }
    return
  }
  func.func @transform_0(%arg0: i32) -> (i32, i32) {
    %c0_i32 = arith.constant 0 : i32
    %c0_i32_0 = arith.constant 0 : i32
    %c0_i32_1 = arith.constant 0 : i32
    return %c0_i32, %c0_i32_0 : i32, i32
  }
  func.func @transform_1(%arg0: i32) -> (i32, i32) {
    %c0_i32 = arith.constant 0 : i32
    %c0_i32_0 = arith.constant 0 : i32
    %c0_i32_1 = arith.constant 0 : i32
    return %c0_i32, %c0_i32_0 : i32, i32
  }
  func.func @transform_2(%arg0: i32) -> (i32, i32) {
    %c0_i32 = arith.constant 0 : i32
    %c0_i32_0 = arith.constant 0 : i32
    %c0_i32_1 = arith.constant 0 : i32
    return %c0_i32, %c0_i32_0 : i32, i32
  }
  func.func @transform_3(%arg0: i32) -> (i32, i32) {
    %c0_i32 = arith.constant 0 : i32
    %c0_i32_0 = arith.constant 0 : i32
    %c0_i32_1 = arith.constant 0 : i32
    return %c0_i32, %c0_i32_0 : i32, i32
  }
  func.func @transform_4(%arg0: i32) -> (i32, i32) {
    %sub3A = arith.constant 1 : i32
    %sub3A_0 = arith.subi %arg0, %sub3A : i32
    %jit3A = arith.constant 0 : i32
    %jit3A_1 = arith.constant 0 : i32
    %max3A = arith.maxsi %jit3A, %sub3A_0 : i32
    %min3A = arith.minsi %jit3A_1, %max3A : i32
    %c0_i32 = arith.constant 0 : i32
    %c0_i32_2 = arith.constant 0 : i32
    return %min3A, %c0_i32 : i32, i32
  }
  func.func @transform_5(%arg0: i32) -> (i32, i32) {
    %sub3A = arith.constant 1 : i32
    %sub3A_0 = arith.subi %arg0, %sub3A : i32
    %sub3A_1 = arith.constant 1 : i32
    %sub3A_2 = arith.subi %sub3A_0, %sub3A_1 : i32
    %jit3A = arith.constant 0 : i32
    %jit3A_3 = arith.constant 7 : i32
    %max3A = arith.maxsi %jit3A, %sub3A_2 : i32
    %min3A = arith.minsi %jit3A_3, %max3A : i32
    %c0_i32 = arith.constant 0 : i32
    %c0_i32_4 = arith.constant 0 : i32
    return %min3A, %c0_i32 : i32, i32
  }
  func.func @transform_6(%arg0: i32) -> (i32, i32) {
    %c0_i32 = arith.constant 0 : i32
    %c0_i32_0 = arith.constant 0 : i32
    %c0_i32_1 = arith.constant 0 : i32
    return %c0_i32, %c0_i32_0 : i32, i32
  }
  func.func @transform_7(%arg0: i32) -> (i32, i32, i32) {
    %sub3A = arith.constant 1 : i32
    %sub3A_0 = arith.subi %arg0, %sub3A : i32
    %jit3A = arith.constant 0 : i32
    %jit3A_1 = arith.constant 0 : i32
    %max3A = arith.maxsi %jit3A, %sub3A_0 : i32
    %min3A = arith.minsi %jit3A_1, %max3A : i32
    %c0_i32 = arith.constant 0 : i32
    %c0_i32_2 = arith.constant 0 : i32
    %c0_i32_3 = arith.constant 0 : i32
    return %min3A, %c0_i32, %c0_i32_2 : i32, i32, i32
  }
  func.func @transform_8(%arg0: i32) -> (i32, i32, i32) {
    %sub3A = arith.constant 1 : i32
    %sub3A_0 = arith.subi %arg0, %sub3A : i32
    %sub3A_1 = arith.constant 1 : i32
    %sub3A_2 = arith.subi %sub3A_0, %sub3A_1 : i32
    %jit3A = arith.constant 0 : i32
    %jit3A_3 = arith.constant 7 : i32
    %max3A = arith.maxsi %jit3A, %sub3A_2 : i32
    %min3A = arith.minsi %jit3A_3, %max3A : i32
    %c0_i32 = arith.constant 0 : i32
    %c0_i32_4 = arith.constant 0 : i32
    %c0_i32_5 = arith.constant 0 : i32
    return %min3A, %c0_i32, %c0_i32_4 : i32, i32, i32
  }
}

module attributes {stable_mosaic.version = 14 : i64} {
  func.func @_flash_ml_kernel(%arg0: i32, %arg1: memref<512x128xf32, #tpu.memory_space<vmem>>, %arg2: memref<8192x128xf32, #tpu.memory_space<vmem>>, %arg3: memref<8192x128xf32, #tpu.memory_space<vmem>>, %arg4: memref<512x128xf32, #tpu.memory_space<vmem>>, %arg5: memref<512x128xf32, #tpu.memory_space<vmem>>, %arg6: memref<512x128xf32, #tpu.memory_space<vmem>>, %arg7: memref<512x128xf32, #tpu.memory_space<vmem>>) attributes {dimension_semantics = [#tpu.dimension_semantics<arbitrary>], iteration_bounds = array<i64: 9>, scalar_prefetch = 0 : i64, scratch_operands = 2 : i64, tpu.core_type = #tpu.core_type<tc>, window_params = [{pipeline_mode = #tpu.pipeline_mode<synchronous>, transform_indices = @transform_0, window_bounds = array<i64: 512, 128>}, {transform_indices = @transform_1, window_bounds = array<i64: 8192, 128>}, {transform_indices = @transform_2, window_bounds = array<i64: 8192, 128>}, {pipeline_mode = #tpu.pipeline_mode<synchronous>, transform_indices = @transform_3, window_bounds = array<i64: 512, 128>}, {pipeline_mode = #tpu.pipeline_mode<synchronous>, transform_indices = @transform_4, window_bounds = array<i64: 512, 128>}]} {
    %get3A = arith.constant 0 : index
    %get3A_0 = arith.constant 0 : index
    %get3A_1 = vector.load %arg1[%get3A, %get3A_0] : memref<512x128xf32, #tpu.memory_space<vmem>>, vector<512x128xf32>
    %mul3A = arith.constant 0.127517432 : f32
    %mul3A_2 = vector.broadcast %mul3A : f32 to vector<512x128xf32>
    %mul3A_3 = arith.mulf %get3A_1, %mul3A_2 : vector<512x128xf32>
    %convert_element_type3A = arith.truncf %mul3A_3 : vector<512x128xf32> to vector<512x128xbf16>
    %eq3A = arith.constant 0 : i32
    %eq3A_4 = arith.cmpi eq, %arg0, %eq3A : i32
    %convert_element_type3A_5 = arith.extui %eq3A_4 : i1 to i32
    %cond3A = arith.constant 0 : i32
    %cond3A_6 = arith.cmpi ne, %convert_element_type3A_5, %cond3A : i32
    scf.if %cond3A_6 {
      %broadcast_in_dim3A = arith.constant 0.000000e+00 : f32
      %broadcast_in_dim3A_162 = vector.broadcast %broadcast_in_dim3A : f32 to vector<512x128xf32>
      %swap3A_163 = arith.constant 0 : index
      %swap3A_164 = arith.constant 0 : index
      %swap3A_165 = vector.load %arg7[%swap3A_163, %swap3A_164] : memref<512x128xf32, #tpu.memory_space<vmem>>, vector<512x128xf32>
      tpu.vector_store %arg7[%swap3A_163, %swap3A_164], %broadcast_in_dim3A_162 {strides = array<i32>} : memref<512x128xf32, #tpu.memory_space<vmem>>, vector<512x128xf32>,
      %broadcast_in_dim3A_166 = arith.constant 0.000000e+00 : f32
      %broadcast_in_dim3A_167 = vector.broadcast %broadcast_in_dim3A_166 : f32 to vector<512x128xf32>
      %swap3A_168 = arith.constant 0 : index
      %swap3A_169 = arith.constant 0 : index
      %swap3A_170 = vector.load %arg6[%swap3A_168, %swap3A_169] : memref<512x128xf32, #tpu.memory_space<vmem>>, vector<512x128xf32>
      tpu.vector_store %arg6[%swap3A_168, %swap3A_169], %broadcast_in_dim3A_167 {strides = array<i32>} : memref<512x128xf32, #tpu.memory_space<vmem>>, vector<512x128xf32>,
    } else {
    }
    %lt3A = arith.constant 1 : i32
    %lt3A_7 = arith.cmpi slt, %arg0, %lt3A : i32
    %get3A_8 = arith.constant 0 : index
    %get3A_9 = arith.constant 0 : index
    %get3A_10 = vector.load %arg2[%get3A_8, %get3A_9] : memref<8192x128xf32, #tpu.memory_space<vmem>>, vector<8192x128xf32>
    %get3A_11 = arith.constant 0 : index
    %get3A_12 = arith.constant 0 : index
    %get3A_13 = vector.load %arg3[%get3A_11, %get3A_12] : memref<8192x128xf32, #tpu.memory_space<vmem>>, vector<8192x128xf32>
    %select_n3A = arith.select %lt3A_7, %get3A_10, %get3A_13 : vector<8192x128xf32>
    %convert_element_type3A_14 = arith.truncf %select_n3A : vector<8192x128xf32> to vector<8192x128xbf16>
    %dot_general3A = arith.constant dense<0.000000e+00> : vector<512x8192xf32>
    %dot_general3A_15 = tpu.matmul %convert_element_type3A, %convert_element_type3A_14, %dot_general3A {dimension_numbers = #tpu.dot_dimension_numbers<[1], [1], [0], [0], [0, 0, 1, 0], [], []>, transpose_lhs_hint = false} : vector<512x128xbf16>, vector<8192x128xbf16>, vector<512x8192xf32> -> vector<512x8192xf32>
    %exp23A = math.exp2 %dot_general3A_15 : vector<512x8192xf32>
    %get3A_16 = arith.constant 0 : index
    %get3A_17 = arith.constant 0 : index
    %get3A_18 = vector.load %arg7[%get3A_16, %get3A_17] : memref<512x128xf32, #tpu.memory_space<vmem>>, vector<512x128xf32>
    %slice3A = vector.extract_strided_slice %exp23A {offsets = [0, 0], sizes = [512, 128], strides = [1, 1]} : vector<512x8192xf32> to vector<512x128xf32>
    %slice3A_19 = vector.extract_strided_slice %exp23A {offsets = [0, 128], sizes = [512, 128], strides = [1, 1]} : vector<512x8192xf32> to vector<512x128xf32>
    %slice3A_20 = vector.extract_strided_slice %exp23A {offsets = [0, 256], sizes = [512, 128], strides = [1, 1]} : vector<512x8192xf32> to vector<512x128xf32>
    %slice3A_21 = vector.extract_strided_slice %exp23A {offsets = [0, 384], sizes = [512, 128], strides = [1, 1]} : vector<512x8192xf32> to vector<512x128xf32>
    %slice3A_22 = vector.extract_strided_slice %exp23A {offsets = [0, 512], sizes = [512, 128], strides = [1, 1]} : vector<512x8192xf32> to vector<512x128xf32>
    %slice3A_23 = vector.extract_strided_slice %exp23A {offsets = [0, 640], sizes = [512, 128], strides = [1, 1]} : vector<512x8192xf32> to vector<512x128xf32>
    %slice3A_24 = vector.extract_strided_slice %exp23A {offsets = [0, 768], sizes = [512, 128], strides = [1, 1]} : vector<512x8192xf32> to vector<512x128xf32>
    %slice3A_25 = vector.extract_strided_slice %exp23A {offsets = [0, 896], sizes = [512, 128], strides = [1, 1]} : vector<512x8192xf32> to vector<512x128xf32>
    %slice3A_26 = vector.extract_strided_slice %exp23A {offsets = [0, 1024], sizes = [512, 128], strides = [1, 1]} : vector<512x8192xf32> to vector<512x128xf32>
    %slice3A_27 = vector.extract_strided_slice %exp23A {offsets = [0, 1152], sizes = [512, 128], strides = [1, 1]} : vector<512x8192xf32> to vector<512x128xf32>
    %slice3A_28 = vector.extract_strided_slice %exp23A {offsets = [0, 1280], sizes = [512, 128], strides = [1, 1]} : vector<512x8192xf32> to vector<512x128xf32>
    %slice3A_29 = vector.extract_strided_slice %exp23A {offsets = [0, 1408], sizes = [512, 128], strides = [1, 1]} : vector<512x8192xf32> to vector<512x128xf32>
    %slice3A_30 = vector.extract_strided_slice %exp23A {offsets = [0, 1536], sizes = [512, 128], strides = [1, 1]} : vector<512x8192xf32> to vector<512x128xf32>
    %slice3A_31 = vector.extract_strided_slice %exp23A {offsets = [0, 1664], sizes = [512, 128], strides = [1, 1]} : vector<512x8192xf32> to vector<512x128xf32>
    %slice3A_32 = vector.extract_strided_slice %exp23A {offsets = [0, 1792], sizes = [512, 128], strides = [1, 1]} : vector<512x8192xf32> to vector<512x128xf32>
    %slice3A_33 = vector.extract_strided_slice %exp23A {offsets = [0, 1920], sizes = [512, 128], strides = [1, 1]} : vector<512x8192xf32> to vector<512x128xf32>
    %slice3A_34 = vector.extract_strided_slice %exp23A {offsets = [0, 2048], sizes = [512, 128], strides = [1, 1]} : vector<512x8192xf32> to vector<512x128xf32>
    %slice3A_35 = vector.extract_strided_slice %exp23A {offsets = [0, 2176], sizes = [512, 128], strides = [1, 1]} : vector<512x8192xf32> to vector<512x128xf32>
    %slice3A_36 = vector.extract_strided_slice %exp23A {offsets = [0, 2304], sizes = [512, 128], strides = [1, 1]} : vector<512x8192xf32> to vector<512x128xf32>
    %slice3A_37 = vector.extract_strided_slice %exp23A {offsets = [0, 2432], sizes = [512, 128], strides = [1, 1]} : vector<512x8192xf32> to vector<512x128xf32>
    %slice3A_38 = vector.extract_strided_slice %exp23A {offsets = [0, 2560], sizes = [512, 128], strides = [1, 1]} : vector<512x8192xf32> to vector<512x128xf32>
    %slice3A_39 = vector.extract_strided_slice %exp23A {offsets = [0, 2688], sizes = [512, 128], strides = [1, 1]} : vector<512x8192xf32> to vector<512x128xf32>
    %slice3A_40 = vector.extract_strided_slice %exp23A {offsets = [0, 2816], sizes = [512, 128], strides = [1, 1]} : vector<512x8192xf32> to vector<512x128xf32>
    %slice3A_41 = vector.extract_strided_slice %exp23A {offsets = [0, 2944], sizes = [512, 128], strides = [1, 1]} : vector<512x8192xf32> to vector<512x128xf32>
    %slice3A_42 = vector.extract_strided_slice %exp23A {offsets = [0, 3072], sizes = [512, 128], strides = [1, 1]} : vector<512x8192xf32> to vector<512x128xf32>
    %slice3A_43 = vector.extract_strided_slice %exp23A {offsets = [0, 3200], sizes = [512, 128], strides = [1, 1]} : vector<512x8192xf32> to vector<512x128xf32>
    %slice3A_44 = vector.extract_strided_slice %exp23A {offsets = [0, 3328], sizes = [512, 128], strides = [1, 1]} : vector<512x8192xf32> to vector<512x128xf32>
    %slice3A_45 = vector.extract_strided_slice %exp23A {offsets = [0, 3456], sizes = [512, 128], strides = [1, 1]} : vector<512x8192xf32> to vector<512x128xf32>
    %slice3A_46 = vector.extract_strided_slice %exp23A {offsets = [0, 3584], sizes = [512, 128], strides = [1, 1]} : vector<512x8192xf32> to vector<512x128xf32>
    %slice3A_47 = vector.extract_strided_slice %exp23A {offsets = [0, 3712], sizes = [512, 128], strides = [1, 1]} : vector<512x8192xf32> to vector<512x128xf32>
    %slice3A_48 = vector.extract_strided_slice %exp23A {offsets = [0, 3840], sizes = [512, 128], strides = [1, 1]} : vector<512x8192xf32> to vector<512x128xf32>
    %slice3A_49 = vector.extract_strided_slice %exp23A {offsets = [0, 3968], sizes = [512, 128], strides = [1, 1]} : vector<512x8192xf32> to vector<512x128xf32>
    %slice3A_50 = vector.extract_strided_slice %exp23A {offsets = [0, 4096], sizes = [512, 128], strides = [1, 1]} : vector<512x8192xf32> to vector<512x128xf32>
    %slice3A_51 = vector.extract_strided_slice %exp23A {offsets = [0, 4224], sizes = [512, 128], strides = [1, 1]} : vector<512x8192xf32> to vector<512x128xf32>
    %slice3A_52 = vector.extract_strided_slice %exp23A {offsets = [0, 4352], sizes = [512, 128], strides = [1, 1]} : vector<512x8192xf32> to vector<512x128xf32>
    %slice3A_53 = vector.extract_strided_slice %exp23A {offsets = [0, 4480], sizes = [512, 128], strides = [1, 1]} : vector<512x8192xf32> to vector<512x128xf32>
    %slice3A_54 = vector.extract_strided_slice %exp23A {offsets = [0, 4608], sizes = [512, 128], strides = [1, 1]} : vector<512x8192xf32> to vector<512x128xf32>
    %slice3A_55 = vector.extract_strided_slice %exp23A {offsets = [0, 4736], sizes = [512, 128], strides = [1, 1]} : vector<512x8192xf32> to vector<512x128xf32>
    %slice3A_56 = vector.extract_strided_slice %exp23A {offsets = [0, 4864], sizes = [512, 128], strides = [1, 1]} : vector<512x8192xf32> to vector<512x128xf32>
    %slice3A_57 = vector.extract_strided_slice %exp23A {offsets = [0, 4992], sizes = [512, 128], strides = [1, 1]} : vector<512x8192xf32> to vector<512x128xf32>
    %slice3A_58 = vector.extract_strided_slice %exp23A {offsets = [0, 5120], sizes = [512, 128], strides = [1, 1]} : vector<512x8192xf32> to vector<512x128xf32>
    %slice3A_59 = vector.extract_strided_slice %exp23A {offsets = [0, 5248], sizes = [512, 128], strides = [1, 1]} : vector<512x8192xf32> to vector<512x128xf32>
    %slice3A_60 = vector.extract_strided_slice %exp23A {offsets = [0, 5376], sizes = [512, 128], strides = [1, 1]} : vector<512x8192xf32> to vector<512x128xf32>
    %slice3A_61 = vector.extract_strided_slice %exp23A {offsets = [0, 5504], sizes = [512, 128], strides = [1, 1]} : vector<512x8192xf32> to vector<512x128xf32>
    %slice3A_62 = vector.extract_strided_slice %exp23A {offsets = [0, 5632], sizes = [512, 128], strides = [1, 1]} : vector<512x8192xf32> to vector<512x128xf32>
    %slice3A_63 = vector.extract_strided_slice %exp23A {offsets = [0, 5760], sizes = [512, 128], strides = [1, 1]} : vector<512x8192xf32> to vector<512x128xf32>
    %slice3A_64 = vector.extract_strided_slice %exp23A {offsets = [0, 5888], sizes = [512, 128], strides = [1, 1]} : vector<512x8192xf32> to vector<512x128xf32>
    %slice3A_65 = vector.extract_strided_slice %exp23A {offsets = [0, 6016], sizes = [512, 128], strides = [1, 1]} : vector<512x8192xf32> to vector<512x128xf32>
    %slice3A_66 = vector.extract_strided_slice %exp23A {offsets = [0, 6144], sizes = [512, 128], strides = [1, 1]} : vector<512x8192xf32> to vector<512x128xf32>
    %slice3A_67 = vector.extract_strided_slice %exp23A {offsets = [0, 6272], sizes = [512, 128], strides = [1, 1]} : vector<512x8192xf32> to vector<512x128xf32>
    %slice3A_68 = vector.extract_strided_slice %exp23A {offsets = [0, 6400], sizes = [512, 128], strides = [1, 1]} : vector<512x8192xf32> to vector<512x128xf32>
    %slice3A_69 = vector.extract_strided_slice %exp23A {offsets = [0, 6528], sizes = [512, 128], strides = [1, 1]} : vector<512x8192xf32> to vector<512x128xf32>
    %slice3A_70 = vector.extract_strided_slice %exp23A {offsets = [0, 6656], sizes = [512, 128], strides = [1, 1]} : vector<512x8192xf32> to vector<512x128xf32>
    %slice3A_71 = vector.extract_strided_slice %exp23A {offsets = [0, 6784], sizes = [512, 128], strides = [1, 1]} : vector<512x8192xf32> to vector<512x128xf32>
    %slice3A_72 = vector.extract_strided_slice %exp23A {offsets = [0, 6912], sizes = [512, 128], strides = [1, 1]} : vector<512x8192xf32> to vector<512x128xf32>
    %slice3A_73 = vector.extract_strided_slice %exp23A {offsets = [0, 7040], sizes = [512, 128], strides = [1, 1]} : vector<512x8192xf32> to vector<512x128xf32>
    %slice3A_74 = vector.extract_strided_slice %exp23A {offsets = [0, 7168], sizes = [512, 128], strides = [1, 1]} : vector<512x8192xf32> to vector<512x128xf32>
    %slice3A_75 = vector.extract_strided_slice %exp23A {offsets = [0, 7296], sizes = [512, 128], strides = [1, 1]} : vector<512x8192xf32> to vector<512x128xf32>
    %slice3A_76 = vector.extract_strided_slice %exp23A {offsets = [0, 7424], sizes = [512, 128], strides = [1, 1]} : vector<512x8192xf32> to vector<512x128xf32>
    %slice3A_77 = vector.extract_strided_slice %exp23A {offsets = [0, 7552], sizes = [512, 128], strides = [1, 1]} : vector<512x8192xf32> to vector<512x128xf32>
    %slice3A_78 = vector.extract_strided_slice %exp23A {offsets = [0, 7680], sizes = [512, 128], strides = [1, 1]} : vector<512x8192xf32> to vector<512x128xf32>
    %slice3A_79 = vector.extract_strided_slice %exp23A {offsets = [0, 7808], sizes = [512, 128], strides = [1, 1]} : vector<512x8192xf32> to vector<512x128xf32>
    %slice3A_80 = vector.extract_strided_slice %exp23A {offsets = [0, 7936], sizes = [512, 128], strides = [1, 1]} : vector<512x8192xf32> to vector<512x128xf32>
    %slice3A_81 = vector.extract_strided_slice %exp23A {offsets = [0, 8064], sizes = [512, 128], strides = [1, 1]} : vector<512x8192xf32> to vector<512x128xf32>
    %add3A = arith.addf %slice3A, %slice3A_19 : vector<512x128xf32>
    %add3A_82 = arith.addf %slice3A_20, %slice3A_21 : vector<512x128xf32>
    %add3A_83 = arith.addf %slice3A_22, %slice3A_23 : vector<512x128xf32>
    %add3A_84 = arith.addf %slice3A_24, %slice3A_25 : vector<512x128xf32>
    %add3A_85 = arith.addf %slice3A_26, %slice3A_27 : vector<512x128xf32>
    %add3A_86 = arith.addf %slice3A_28, %slice3A_29 : vector<512x128xf32>
    %add3A_87 = arith.addf %slice3A_30, %slice3A_31 : vector<512x128xf32>
    %add3A_88 = arith.addf %slice3A_32, %slice3A_33 : vector<512x128xf32>
    %add3A_89 = arith.addf %slice3A_34, %slice3A_35 : vector<512x128xf32>
    %add3A_90 = arith.addf %slice3A_36, %slice3A_37 : vector<512x128xf32>
    %add3A_91 = arith.addf %slice3A_38, %slice3A_39 : vector<512x128xf32>
    %add3A_92 = arith.addf %slice3A_40, %slice3A_41 : vector<512x128xf32>
    %add3A_93 = arith.addf %slice3A_42, %slice3A_43 : vector<512x128xf32>
    %add3A_94 = arith.addf %slice3A_44, %slice3A_45 : vector<512x128xf32>
    %add3A_95 = arith.addf %slice3A_46, %slice3A_47 : vector<512x128xf32>
    %add3A_96 = arith.addf %slice3A_48, %slice3A_49 : vector<512x128xf32>
    %add3A_97 = arith.addf %slice3A_50, %slice3A_51 : vector<512x128xf32>
    %add3A_98 = arith.addf %slice3A_52, %slice3A_53 : vector<512x128xf32>
    %add3A_99 = arith.addf %slice3A_54, %slice3A_55 : vector<512x128xf32>
    %add3A_100 = arith.addf %slice3A_56, %slice3A_57 : vector<512x128xf32>
    %add3A_101 = arith.addf %slice3A_58, %slice3A_59 : vector<512x128xf32>
    %add3A_102 = arith.addf %slice3A_60, %slice3A_61 : vector<512x128xf32>
    %add3A_103 = arith.addf %slice3A_62, %slice3A_63 : vector<512x128xf32>
    %add3A_104 = arith.addf %slice3A_64, %slice3A_65 : vector<512x128xf32>
    %add3A_105 = arith.addf %slice3A_66, %slice3A_67 : vector<512x128xf32>
    %add3A_106 = arith.addf %slice3A_68, %slice3A_69 : vector<512x128xf32>
    %add3A_107 = arith.addf %slice3A_70, %slice3A_71 : vector<512x128xf32>
    %add3A_108 = arith.addf %slice3A_72, %slice3A_73 : vector<512x128xf32>
    %add3A_109 = arith.addf %slice3A_74, %slice3A_75 : vector<512x128xf32>
    %add3A_110 = arith.addf %slice3A_76, %slice3A_77 : vector<512x128xf32>
    %add3A_111 = arith.addf %slice3A_78, %slice3A_79 : vector<512x128xf32>
    %add3A_112 = arith.addf %slice3A_80, %slice3A_81 : vector<512x128xf32>
    %add3A_113 = arith.addf %add3A, %add3A_82 : vector<512x128xf32>
    %add3A_114 = arith.addf %add3A_83, %add3A_84 : vector<512x128xf32>
    %add3A_115 = arith.addf %add3A_85, %add3A_86 : vector<512x128xf32>
    %add3A_116 = arith.addf %add3A_87, %add3A_88 : vector<512x128xf32>
    %add3A_117 = arith.addf %add3A_89, %add3A_90 : vector<512x128xf32>
    %add3A_118 = arith.addf %add3A_91, %add3A_92 : vector<512x128xf32>
    %add3A_119 = arith.addf %add3A_93, %add3A_94 : vector<512x128xf32>
    %add3A_120 = arith.addf %add3A_95, %add3A_96 : vector<512x128xf32>
    %add3A_121 = arith.addf %add3A_97, %add3A_98 : vector<512x128xf32>
    %add3A_122 = arith.addf %add3A_99, %add3A_100 : vector<512x128xf32>
    %add3A_123 = arith.addf %add3A_101, %add3A_102 : vector<512x128xf32>
    %add3A_124 = arith.addf %add3A_103, %add3A_104 : vector<512x128xf32>
    %add3A_125 = arith.addf %add3A_105, %add3A_106 : vector<512x128xf32>
    %add3A_126 = arith.addf %add3A_107, %add3A_108 : vector<512x128xf32>
    %add3A_127 = arith.addf %add3A_109, %add3A_110 : vector<512x128xf32>
    %add3A_128 = arith.addf %add3A_111, %add3A_112 : vector<512x128xf32>
    %add3A_129 = arith.addf %add3A_113, %add3A_114 : vector<512x128xf32>
    %add3A_130 = arith.addf %add3A_115, %add3A_116 : vector<512x128xf32>
    %add3A_131 = arith.addf %add3A_117, %add3A_118 : vector<512x128xf32>
    %add3A_132 = arith.addf %add3A_119, %add3A_120 : vector<512x128xf32>
    %add3A_133 = arith.addf %add3A_121, %add3A_122 : vector<512x128xf32>
    %add3A_134 = arith.addf %add3A_123, %add3A_124 : vector<512x128xf32>
    %add3A_135 = arith.addf %add3A_125, %add3A_126 : vector<512x128xf32>
    %add3A_136 = arith.addf %add3A_127, %add3A_128 : vector<512x128xf32>
    %add3A_137 = arith.addf %add3A_129, %add3A_130 : vector<512x128xf32>
    %add3A_138 = arith.addf %add3A_131, %add3A_132 : vector<512x128xf32>
    %add3A_139 = arith.addf %add3A_133, %add3A_134 : vector<512x128xf32>
    %add3A_140 = arith.addf %add3A_135, %add3A_136 : vector<512x128xf32>
    %add3A_141 = arith.addf %add3A_137, %add3A_138 : vector<512x128xf32>
    %add3A_142 = arith.addf %add3A_139, %add3A_140 : vector<512x128xf32>
    %add3A_143 = arith.addf %add3A_141, %add3A_142 : vector<512x128xf32>
    %add3A_144 = arith.addf %get3A_18, %add3A_143 : vector<512x128xf32>
    %swap3A = arith.constant 0 : index
    %swap3A_145 = arith.constant 0 : index
    %swap3A_146 = vector.load %arg7[%swap3A, %swap3A_145] : memref<512x128xf32, #tpu.memory_space<vmem>>, vector<512x128xf32>
    tpu.vector_store %arg7[%swap3A, %swap3A_145], %add3A_144 {strides = array<i32>} : memref<512x128xf32, #tpu.memory_space<vmem>>, vector<512x128xf32>,
    %get3A_147 = arith.constant 0 : index
    %get3A_148 = arith.constant 0 : index
    %get3A_149 = vector.load %arg6[%get3A_147, %get3A_148] : memref<512x128xf32, #tpu.memory_space<vmem>>, vector<512x128xf32>
    %convert_element_type3A_150 = arith.truncf %exp23A : vector<512x8192xf32> to vector<512x8192xbf16>
    %dot_general3A_151 = arith.constant dense<0.000000e+00> : vector<512x128xf32>
    %dot_general3A_152 = tpu.matmul %convert_element_type3A_150, %convert_element_type3A_14, %dot_general3A_151 {dimension_numbers = #tpu.dot_dimension_numbers<[1], [0], [0], [1], [0, 0, 1, 1], [], []>, transpose_lhs_hint = false} : vector<512x8192xbf16>, vector<8192x128xbf16>, vector<512x128xf32> -> vector<512x128xf32>
    %add3A_153 = arith.addf %get3A_149, %dot_general3A_152 : vector<512x128xf32>
    %swap3A_154 = arith.constant 0 : index
    %swap3A_155 = arith.constant 0 : index
    %swap3A_156 = vector.load %arg6[%swap3A_154, %swap3A_155] : memref<512x128xf32, #tpu.memory_space<vmem>>, vector<512x128xf32>
    tpu.vector_store %arg6[%swap3A_154, %swap3A_155], %add3A_153 {strides = array<i32>} : memref<512x128xf32, #tpu.memory_space<vmem>>, vector<512x128xf32>,
    %eq3A_157 = arith.constant 8 : i32
    %eq3A_158 = arith.cmpi eq, %arg0, %eq3A_157 : i32
    %convert_element_type3A_159 = arith.extui %eq3A_158 : i1 to i32
    %cond3A_160 = arith.constant 0 : i32
    %cond3A_161 = arith.cmpi ne, %convert_element_type3A_159, %cond3A_160 : i32
    scf.if %cond3A_161 {
      %get3A_162 = arith.constant 0 : index
      %get3A_163 = arith.constant 0 : index
      %get3A_164 = vector.load %arg6[%get3A_162, %get3A_163] : memref<512x128xf32, #tpu.memory_space<vmem>>, vector<512x128xf32>
      %swap3A_165 = arith.constant 0 : index
      %swap3A_166 = arith.constant 0 : index
      %swap3A_167 = vector.load %arg4[%swap3A_165, %swap3A_166] : memref<512x128xf32, #tpu.memory_space<vmem>>, vector<512x128xf32>
      tpu.vector_store %arg4[%swap3A_165, %swap3A_166], %get3A_164 {strides = array<i32>} : memref<512x128xf32, #tpu.memory_space<vmem>>, vector<512x128xf32>,
      %get3A_168 = arith.constant 0 : index
      %get3A_169 = arith.constant 0 : index
      %get3A_170 = vector.load %arg7[%get3A_168, %get3A_169] : memref<512x128xf32, #tpu.memory_space<vmem>>, vector<512x128xf32>
      %swap3A_171 = arith.constant 0 : index
      %swap3A_172 = arith.constant 0 : index
      %swap3A_173 = vector.load %arg5[%swap3A_171, %swap3A_172] : memref<512x128xf32, #tpu.memory_space<vmem>>, vector<512x128xf32>
      tpu.vector_store %arg5[%swap3A_171, %swap3A_172], %get3A_170 {strides = array<i32>} : memref<512x128xf32, #tpu.memory_space<vmem>>, vector<512x128xf32>,
    } else {
    }
    return
  }
  func.func @transform_0(%arg0: i32) -> (i32, i32) {
    %c0_i32 = arith.constant 0 : i32
    %c0_i32_0 = arith.constant 0 : i32
    %c0_i32_1 = arith.constant 0 : i32
    return %c0_i32, %c0_i32_0 : i32, i32
  }
  func.func @transform_1(%arg0: i32) -> (i32, i32) {
    %jit3A = arith.constant 0 : i32
    %jit3A_0 = arith.constant 0 : i32
    %max3A = arith.maxsi %jit3A, %arg0 : i32
    %min3A = arith.minsi %jit3A_0, %max3A : i32
    %c0_i32 = arith.constant 0 : i32
    %c0_i32_1 = arith.constant 0 : i32
    return %min3A, %c0_i32 : i32, i32
  }
  func.func @transform_2(%arg0: i32) -> (i32, i32) {
    %sub3A = arith.constant 1 : i32
    %sub3A_0 = arith.subi %arg0, %sub3A : i32
    %jit3A = arith.constant 0 : i32
    %jit3A_1 = arith.constant 7 : i32
    %max3A = arith.maxsi %jit3A, %sub3A_0 : i32
    %min3A = arith.minsi %jit3A_1, %max3A : i32
    %c0_i32 = arith.constant 0 : i32
    %c0_i32_2 = arith.constant 0 : i32
    return %min3A, %c0_i32 : i32, i32
  }
  func.func @transform_3(%arg0: i32) -> (i32, i32) {
    %c0_i32 = arith.constant 0 : i32
    %c0_i32_0 = arith.constant 0 : i32
    %c0_i32_1 = arith.constant 0 : i32
    return %c0_i32, %c0_i32_0 : i32, i32
  }
  func.func @transform_4(%arg0: i32) -> (i32, i32) {
    %c0_i32 = arith.constant 0 : i32
    %c0_i32_0 = arith.constant 0 : i32
    %c0_i32_1 = arith.constant 0 : i32
    return %c0_i32, %c0_i32_0 : i32, i32
  }
}

</mosaic_0001>

<sc_bundles>
// kernel: kernel.5.cloned.1.call-start
scs
__scs_entry_jumppad:
0x0: {  	(pc) =	sbr.rel $0x88, $3  }
0x1: {  	(tag) =	ssettag $0x0;
	lr =	simm.s32 $0x1  }
0x2: {  	[smem:$0x3F9C] =	sst lr;
	_ =	strace $0xD0000000  }
0x3: {  	_ = 	snop  }
0x4: {  	_ = 	snop  }
0x5: {  	_ = 	snop  }
0x6: {  	_ = 	snop  }
0x7: {  	_ = 	snop  }
__scs_overlays_trampoline_lowered:
0x8: {  	[smem:$0x3FAB] =	sst s0  }
0x9: {  	[smem:$0x3FAC] =	sst s1  }
0xa: {  	[smem:$0x3FAD] =	sst s2  }
0xb: {  	[smem:$0x3FAE] =	sst s3  }
0xc: {  	[smem:$0x3FAF] =	sst s4  }
0xd: {  	[smem:$0x3FB0] =	sst s5  }
0xe: {  	[smem:$0x3FB1] =	sst s6  }
0xf: {  	[smem:$0x3FB2] =	sst s7  }
0x10: {  	[smem:$0x3FB3] =	sst s8  }
0x11: {  	[smem:$0x3FB4] =	sst s9;
	s0 =	simm.s32 @!p0 $0x0  }
0x12: {  	s1 =	sld [smem:$0x3F9A];
	s0 =	simm.s32 @p0 $0x1  }
0x13: {  	[smem:$0x3FB5] =	sst s0;
	s0 =	simm.s32 @!p1 $0x0  }
0x14: {  	s2 =	sld [smem:$0x3F99];
	s0 =	simm.s32 @p1 $0x1  }
0x15: {  	[smem:$0x3FB6] =	sst s0;
	s0 =	simm.s32 @!p2 $0x0  }
0x16: {  	s3 =	sld [smem:$0x3FDB];
	s0 =	simm.s32 @p2 $0x1  }
0x17: {  	s4 =	simm.s32 $0x1BF5;
	[smem:$0x3FB8] =	sst s0  }
0x18: {  	s0 =	sld [smem:$0x3F9B];
	_ =	swait.ge [sflag:s4], $0x0  }
0x19: {  	s7 =	sld [smem:$0x3F9C]  }
0x1a: {  	s8 =	sadd.s32 $0xFFFFE003, lr  }
0x1b: {  	s9 =	sadd.s32 $0xFFFFFEF7, lr;
	s5 =	simm.s32 $0xFFFFFFFF;
	p2 =	slt.u32 s8, $0xFFFFF086  }
0x1c: {  	p1 =	slt.u32 s9, $0xF7A;
	s5 =	simm.s32 @!p2 $0x0  }
0x1d: {  	s5 =	simm.s32 @p1 $0x1;
	p0 =	seq.s32 s7, s2  }
0x1e: {  	s7 =	smul.u32 @!p0 $0xF7A, s2;
	p2 =	seq.s32 @!p0 s5, $0x0  }
0x1f: {  	s9 =	smul.u32 $0xF7A, s1;
	s8 =	simm.s32 @!p0 $0x1BF5;
	p2 =	por !p2, p0  }
0x20: {  	[sflag:s8] =	ssyncset.s32 @!p0 $0xFFFFF086;
	s6 =	sadd.s32 @!p0 s3, s7;
	s7 =	simm.s32 @!p0 $0x108  }
0x21: {  	s3 =	sadd.s32 s3, s9;
	s6 =	sadd.s32 @!p0 $0x88, s6;
	s7 =	simm.s32 @p2 $0x1082  }
0x22: {  	[simem:s7], [sflag:s8] =	dma.local @!p0 [hbm:s6], $0xF7A  }
0x23: {  	s9 =	sor.u32 $0xD0000000, s2;
	s6 =	simm.s32 $0x108;
	_ =	swait.ge @!p0 [sflag:s8], $0x0  }
0x24: {  	s3 =	sadd.s32 $0x88, s3;
	s6 =	simm.s32 @!p1 $0x1082;
	[sflag:s4] =	ssyncset.s32 $0xFFFFF086  }
0x25: {  	[simem:s6], [sflag:s4] =	dma.local [hbm:s3], $0xF7A  }
0x26: {  	[smem:$0x3F9C] =	sst s1;
	(tag) =	ssettag s2;
	_ =	strace s9  }
0x27: {  	s1 =	sld [smem:$0x3FAC]  }
0x28: {  	s2 =	sld [smem:$0x3FAD]  }
0x29: {  	s4 =	sld [smem:$0x3FAF]  }
0x2a: {  	p0 =	seq.s32 s5, $0x0;
	s5 =	sld [smem:$0x3FB0]  }
0x2b: {  	s6 =	sld [smem:$0x3FB1]  }
0x2c: {  	s7 =	sld [smem:$0x3FB2]  }
0x2d: {  	s3 =	simm.s32 $0x108;
	s8 =	sld [smem:$0x3FB3]  }
0x2e: {  	s3 =	simm.s32 @!p0 $0x1082;
	s9 =	sld [smem:$0x3FB4]  }
0x2f: {  	lr =	sadd.s32 s0, s3;
	s0 =	sld [smem:$0x3FAB]  }
0x30: {  	s3 =	sld [smem:$0x3FAE]  }
0x31: {  	[smem:$0x3FB7] =	sst s10  }
0x32: {  	s10 =	sld [smem:$0x3FB5];
	_ =	sdelay $0x3  }
0x33: {  	p0 =	seq.s32 s10, $0x1;
	s10 =	sld [smem:$0x3FB7];
	_ =	sdelay $0x3  }
0x34: {  	[smem:$0x3FB7] =	sst s10  }
0x35: {  	s10 =	sld [smem:$0x3FB6];
	_ =	sdelay $0x3  }
0x36: {  	p1 =	seq.s32 s10, $0x1;
	s10 =	sld [smem:$0x3FB7];
	_ =	sdelay $0x3  }
0x37: {  	[smem:$0x3FB7] =	sst s10  }
0x38: {  	s10 =	sld [smem:$0x3FB8]  }
0x39: {  	_ = 	snop;
	(pc) =	sbr.ind lr, $3  }
0x3a: {  	_ = 	snop  }
0x3b: {  	_ = 	snop  }
0x3c: {  	p2 =	seq.s32 s10, $0x1;
	s10 =	sld [smem:$0x3FB7]  }
0x3d: {  	_ =	shalt  }
0x3e: {  	_ =	shalt  }
0x3f: {  	_ =	shalt  }
0x40: {  	_ =	shalt  }
0x41: {  	_ =	shalt  }
0x42: {  	_ =	shalt  }
0x43: {  	_ =	shalt  }
0x44: {  	_ =	shalt  }
0x45: {  	_ =	shalt  }
0x46: {  	_ =	shalt  }
0x47: {  	_ =	shalt  }
0x48: {  	_ =	shalt  }
0x49: {  	_ =	shalt  }
0x4a: {  	_ =	shalt  }
0x4b: {  	_ =	shalt  }
0x4c: {  	_ =	shalt  }
0x4d: {  	_ =	shalt  }
0x4e: {  	_ =	shalt  }
0x4f: {  	_ =	shalt  }
0x50: {  	_ =	shalt  }
0x51: {  	_ =	shalt  }
0x52: {  	_ =	shalt  }
0x53: {  	_ =	shalt  }
0x54: {  	_ =	shalt  }
0x55: {  	_ =	shalt  }
0x56: {  	_ =	shalt  }
0x57: {  	_ =	shalt  }
0x58: {  	_ =	shalt  }
0x59: {  	_ =	shalt  }
0x5a: {  	_ =	shalt  }
0x5b: {  	_ =	shalt  }
0x5c: {  	_ =	shalt  }
0x5d: {  	_ =	shalt  }
0x5e: {  	_ =	shalt  }
0x5f: {  	_ =	shalt  }
0x60: {  	_ =	shalt  }
0x61: {  	_ =	shalt  }
0x62: {  	_ =	shalt  }
0x63: {  	_ =	shalt  }
0x64: {  	_ =	shalt  }
0x65: {  	_ =	shalt  }
0x66: {  	_ =	shalt  }
0x67: {  	_ =	shalt  }
0x68: {  	_ =	shalt  }
0x69: {  	_ =	shalt  }
0x6a: {  	_ =	shalt  }
0x6b: {  	_ =	shalt  }
0x6c: {  	_ =	shalt  }
0x6d: {  	_ =	shalt  }
0x6e: {  	_ =	shalt  }
0x6f: {  	_ =	shalt  }
0x70: {  	_ =	shalt  }
0x71: {  	_ =	shalt  }
0x72: {  	_ =	shalt  }
0x73: {  	_ =	shalt  }
0x74: {  	_ =	shalt  }
0x75: {  	_ =	shalt  }
0x76: {  	_ =	shalt  }
0x77: {  	_ =	shalt  }
0x78: {  	_ =	shalt  }
0x79: {  	_ =	shalt  }
0x7a: {  	_ =	shalt  }
0x7b: {  	_ =	shalt  }
0x7c: {  	_ =	shalt  }
0x7d: {  	_ =	shalt  }
0x7e: {  	_ =	shalt  }
0x7f: {  	_ =	shalt  }
0x80: {  	_ =	shalt  }
0x81: {  	_ =	shalt  }
0x82: {  	_ =	shalt  }
0x83: {  	_ =	shalt  }
0x84: {  	_ =	shalt  }
0x85: {  	_ =	shalt  }
0x86: {  	_ =	shalt  }
0x87: {  	_ =	shalt  }
.Lfunc_end0:
.L_simem_size_0:
called_computation_lowered:
.L_overlay_start_0:
0x88: {  	s2 =	sld [smem:$0x3FD9]  }
0x89: {  	s3 =	sld [smem:$0x3FFE];
	_ =	sdelay $0x1  }
0x8a: {  	s1 =	srdreg.scid  }
0x8b: {  	s0 =	sand.u32 $0x1, s1  }
0x8c: {  	s14 =	sshll.u32 s0, $0xA;
	s2 =	sadd.s32 s3, s2  }
0x8d: {  	s2 =	sadd.s32 s2, s14  }
0x8e: {  	[smem:$0x3FC3] =	sst s2  }
0x8f: {  	_ = 	snop  }
0x90: {  	s2 =	sld [smem:$0x3FD0];
	_ =	sdelay $0x2  }
0x91: {  	s15 =	simm.s32 $0xA;
	s4 =	simm.s32 $0x10  }
0x92: {  	[smem:s4], [sflag:s15] =	dma.local [hbm:s2], $0x1  }
0x93: {  	_ =	swait.eq [sflag:s15], $0x1  }
0x94: {  	[sflag:s15] =	ssyncset.done $0x0  }
0x95: {  	s16 =	sld [smem:$0x11];
	[sflag:s15] =	ssyncadd.s32 $0xFFFFFFFF  }
0x96: {  	s17 =	sld [smem:$0x12];
	(tm) =	ssettm $0x1  }
0x97: {  	s18 =	sld [smem:$0x3FFB];
	_ =	sdelay $0x3  }
0x98: {  	_ =	strace s18  }
0x99: {  	s4 =	sld [smem:$0x3FFC];
	_ =	sdelay $0x3  }
0x9a: {  	_ =	strace s4  }
0x9b: {  	s4 =	sld [smem:$0x3FFD];
	_ =	sdelay $0x3  }
0x9c: {  	_ =	strace s4  }
0x9d: {  	_ =	strace $0x8FFFFFFF  }
0x9e: {  	s19 =	sld [smem:$0x3FDB];
	_ =	sdelay $0x1  }
0x9f: {  	s5 =	simm.s32 $_scs_section_size  }
0xa0: {  	s6 =	simm.s32 $_size__tile_overlayer_lowered;
	s7 =	simm.s32 $_tile_overlayer_lowered  }
0xa1: {  	s22 =	simm.s32 $0x1BFF;
	s21 =	sshll.u32 s7, $0x1;
	s4 =	sadd.s32 s5, s19  }
0xa2: {  	s8 =	simm.s32 $0x0;
	s20 =	sshll.u32 s6, $0x1;
	s6 =	sadd.s32 s21, s4  }
0xa3: {  	[timem:s8], [sflag:s22] =	dma.local [hbm:s6], s20  }
0xa4: {  	_ =	swait.ge [sflag:s22], s20  }
0xa5: {  	s5 =	ssub.s32 $0x0, s20;
	[sflag:s22] =	ssyncset.done $0x0  }
0xa6: {  	[sflag:s22] =	ssyncadd.s32 s5;
	_ =	sdelay $0x1  }
0xa7: {  	s23 =	simm.s32 $0x1B8B  }
0xa8: {  	_ =	swait.ge [sflag:s23], $0x1  }
0xa9: {  	[sflag:s23] =	ssyncset.done $0x0  }
0xaa: {  	s25 =	simm.s32 $0x1B8E;
	s24 =	sld [smem:$0x3FFE];
	[sflag:s23] =	ssyncadd.s32 $0xFFFFFFFF  }
0xab: {  	s26 =	simm.s32 $execute0_lowered;
	[smem:$0x3FD2] =	sst s25  }
0xac: {  	s6 =	sshll.u32 s26, $0x1;
	_ =	strace $0x80000046;
	[dreg:$0x1] =	wrdreg $0xFFFFFFFF  }
0xad: {  	s28 =	simm.s32 $_size_execute0_lowered;
	s4 =	sadd.s32 s4, s6;
	[dreg:$0x0] =	wrdreg $0x0  }
0xae: {  	s6 =	sshll.u32 s28, $0x1;
	[dreg:$0x2] =	wrdreg s4  }
0xaf: {  	[dreg:$0x3] =	wrdreg s6  }
0xb0: {  	[dreg:$0x4] =	wrdreg $0xC0  }
0xb1: {  	_ =	task [dreg:s8], $0x5FFFF  }
0xb2: {  	[dreg:$0x1] =	wrdreg $0xFFFFFFFF  }
0xb3: {  	[dreg:$0x0] =	wrdreg $0x60  }
0xb4: {  	[dreg:$0x2] =	wrdreg s24  }
0xb5: {  	[dreg:$0x3] =	wrdreg s17  }
0xb6: {  	[dreg:$0x4] =	wrdreg s16  }
0xb7: {  	[dreg:$0x5] =	wrdreg $0x9  }
0xb8: {  	_ =	task.clear_ibuf [dreg:s8], $0x6FFFF;
	_ =	strace $0x90000046  }
0xb9: {  	s29 =	simm.s32 $0x9;
	_ =	strace $0x80000048  }
0xba: {  	_ =	swait.ge [sflag:s29], $0x1  }
0xbb: {  	[sflag:s29] =	ssyncadd.s32 $0xFFFFFFFF  }
0xbc: {  	_ =	strace $0x90000048  }
0xbd: {  	_ =	sfence  }
0xbe: {  	s30 =	sld [smem:$0x0];
	_ =	sdelay $0x2  }
0xbf: {  	s31 =	sshll.u32 s1, $0xD;
	s1 =	sshrl.u32 s1, $0x2  }
0xc0: {  	s3 =	sand.u32 $0x4000, s31;
	s1 =	sadd.s32 s1, s30  }
0xc1: {  	s0 =	sor.u32 s3, s0;
	s1 =	sshll.u32 s1, $0x11  }
0xc2: {  	s0 =	sor.u32 s1, s0  }
0xc3: {  	s0 =	sadd.s32 $0x8F2B, s0  }
0xc4: {  	[sflag:s0] =	ssyncadd.remote.s32 $0x1  }
0xc5: {  	_ =	sfence.sel $0xFFFF  }
0xc6: {  	[dreg:$0x0] =	wrdreg $0xFFFFFFFF;
	(pc) =	sbr.abs _section_cstart, $3  }
0xc7: {  	[dreg:$0x1] =	wrdreg $0xFFFFFFFF  }
0xc8: {  	_ =	task.clear_ibuf [dreg:s8], $0x2FFFF;
	_ =	strace $0x9FFFFFFF  }
0xc9: {  	(tm) =	ssettm $0x7FFFFFFF  }
tec
execute0_lowered:
.L_overlay_start_1:
0x0: {  	(tag) =	ssettag $0x1  }
0x1: {  	s5 =	rddreg [dreg:$0x0]  }
0x2: {  	s1 =	srdreg.scid;
	s3 =	rddreg [dreg:$0x1]  }
0x3: {  	s0 =	stileid.u32;
	s9 =	rddreg [dreg:$0x2];
	s6 =	sand.u32 $0x1, s1  }
0x4: {  	s2 =	simm.s32 $0x0;
	s4 =	sshll.u32 s0, $0x6;
	s7 =	sshll.u32 s6, $0x5  }
0x5: {  	s8 =	simm.s32 $0x1;
	[smem:$0x7FF] =	sst s2;
	s10 =	sor.u32 s7, s4  }
0x6: {  	s1 =	rddreg [dreg:$0x3];
	_ =	strace $0x80000047;
	s4 =	sshrl.u32 s10, $0x3  }
0x7: {  	s11 =	ssub.s32 $0x2, s6;
	s4 =	sadd.s32 s3, s4;
	s3 =	simm.s32 $0x2  }
0x8: {  	[tilespmem:s2], [sflag:$0x2] =	stream.linear.gather [hbm4b:s4+s2], $0x20, $0x38;
	[tilespmem:$0x1080] =	vst v63  }
0x9: {  	s5 =	sadd.s32 $0x1200, s5;
	s12 =	sshrl.u32 s11, $0x1;
	_ =	swait.ge [sflag:s3], $0x20  }
0xa: {  	s6 =	simm.s32 $0x20;
	s11 =	ssub.s32 s11, s12;
	[sflag:s3] =	ssyncset.done $0x0  }
0xb: {  	s7 =	simm.s32 $0x80;
	s31 =	smax.u32 s11, $0x1;
	[sflag:s3] =	ssyncadd.s32 $0xFFFFFFE0  }
0xc: {  	[tilespmem:s7], [sflag:$0x1] =	stream.indirect.gather [hbm4b:s5+s6], $0x80, s2, s6, $0xb8;
	[tilespmem:$0x1080] =	vst v63  }
0xd: {  	p0 =	sne.s32 s31, $0x1;
	_ =	swait.ge [sflag:s8], $0x1000  }
.Ltmp0:
0xe: {  	s10 =	sshll.u32 s10, $0x4;
	[sflag:s8] =	ssyncset.done $0x0;
	(pc) =	sbr.rel @!p0 .LBB2_2-.Ltmp0, $4  }
0xf: {  	s9 =	sadd.s32 s9, s10;
	[sflag:s8] =	ssyncadd.s32 $0xFFFFF000  }
0x10: {  	[hbm4b:s9+s2] =	stream.linear.scatter [tilespmem:s7], [sflag:$0x2], $0x1000, $0x38;
	[tilespmem:$0x1080] =	vst v63  }
0x11: {  	_ =	swait.ge [sflag:s3], $0x1000  }
0x12: {  	s10 =	sadd.s32 $0xFFFFFFFF, s31;
	[sflag:s3] =	ssyncset.done $0x0  }
.LBB2_1:
0x13: {  	p0 =	sne.s32 s10, $0x1;
	s10 =	sadd.s32 $0xFFFFFFFF, s10;
	[sflag:s3] =	ssyncadd.s32 $0xFFFFF000  }
0x14: {  	[tilespmem:s2], [sflag:$0x2] =	stream.linear.gather [hbm4b:s4+s2], $0x20, $0x38;
	[tilespmem:$0x1080] =	vst v63  }
0x15: {  	_ =	swait.ge [sflag:s3], $0x20  }
0x16: {  	[sflag:s3] =	ssyncset.done $0x0  }
0x17: {  	[sflag:s3] =	ssyncadd.s32 $0xFFFFFFE0  }
0x18: {  	[tilespmem:s7], [sflag:$0x1] =	stream.indirect.gather [hbm4b:s5+s6], $0x80, s2, s6, $0xb8;
	[tilespmem:$0x1080] =	vst v63  }
0x19: {  	_ =	swait.ge [sflag:s8], $0x1000  }
.Ltmp1:
0x1a: {  	[sflag:s8] =	ssyncset.done $0x0;
	(pc) =	sbr.rel @p0 .LBB2_1-.Ltmp1, $4  }
0x1b: {  	[sflag:s8] =	ssyncadd.s32 $0xFFFFF000  }
0x1c: {  	[hbm4b:s9+s2] =	stream.linear.scatter [tilespmem:s7], [sflag:$0x2], $0x1000, $0x38;
	[tilespmem:$0x1080] =	vst v63  }
0x1d: {  	_ =	swait.ge [sflag:s3], $0x1000  }
0x1e: {  	[sflag:s3] =	ssyncset.done $0x0  }
.LBB2_2:
0x1f: {  	[sflag:s3] =	ssyncadd.s32 $0xFFFFF000  }
0x20: {  	_ =	sfence.sel $0x180000  }
0x21: {  	[bflag:$0x0] =	sbarrier.arrive $0xFFFF  }
0x22: {  	p0 =	sne.s32 s0, $0x0;
	_ =	strace $0x90000047  }
0x23: {  	s0 =	sadd.s32 @!p0 $0x100000, s1;
	[bflag:$0x2] =	sbarrier.arrive $0xFFFF  }
0x24: {  	[sflag:s0] =	ssyncadd.tile.s32 @!p0 $0x1;
	_ =	shalt  }
.Lfunc_end2:
_tile_overlayer_lowered:
.L_overlay_start_2:
0x25: {  	(tag) =	ssettag $0x2  }
0x26: {  	s0 =	rddreg [dreg:$0x0];
	s2 =	stileid.u32  }
0x27: {  	s1 =	rddreg [dreg:$0x1];
	p0 =	sne.s32 s2, $0x0  }
0x28: {  	s3 =	rddreg [dreg:$0x2];
	[bflag:$0x3] =	sbarrier.arrive $0xFFFF;
	s2 =	simm.s32 @!p0 $0x1C02  }
0x29: {  	[timem:s3], [sflag:s2] =	dma.local @!p0 [hbm:s0], s1  }
0x2a: {  	s0 =	simm.s32 @!p0 $0x2  }
0x2b: {  	_ =	swait.ge @!p0 [sflag:s0], s1  }
0x2c: {  	s1 =	ssub.s32 @!p0 $0x0, s1;
	[sflag:s0] =	ssyncset.done @!p0 $0x0  }
0x2d: {  	[sflag:s0] =	ssyncadd.s32 @!p0 s1  }
0x2e: {  	[bflag:$0x3] =	sbarrier.arrive $0xFFFF  }
0x2f: {  	_ =	shalt  }

</sc_bundles>
